<compile_context>
chip_gen: v7x
topology: tpu7x:2x2x1
jax: 0.10.2.dev20260603
libtpu: 0.0.44.dev20260713+nightly
codegen_flags: <defaults>
</compile_context>

<pallas_src>
import functools

import jax
import jax.numpy as jnp
from jax import lax
from jax.experimental import pallas as pl
from jax.experimental.pallas import tpu as pltpu
from jax.experimental.pallas import tpu_sc as plsc

_INFO = plsc.get_sparse_core_info()
_NC = 1
_NS = _INFO.num_subcores
_NW = _NC * _NS
_L = _INFO.num_lanes
_RCHUNK = 64


@functools.partial(jax.jit, static_argnames=("b_per_w", "c"))
def _gather_colors(data_i32, color_mask, b_per_w, c):
    b = data_i32.shape[0]
    mesh = plsc.VectorSubcoreMesh(
        core_axis_name="c", subcore_axis_name="s", num_cores=1
    )

    @functools.partial(
        pl.kernel,
        mesh=mesh,
        out_type=jax.ShapeDtypeStruct((b,), jnp.float32),
        scratch_types=[
            pltpu.VMEM((b_per_w,), jnp.int32),
            pltpu.VMEM((_RCHUNK, c), jnp.float32),
            pltpu.VMEM((b_per_w,), jnp.float32),
            pltpu.SemaphoreType.DMA,
        ],
        compiler_params=pltpu.CompilerParams(needs_layout_passes=False),
    )
    def run(data_hbm, cm_hbm, out_hbm, d_v, cm_v, out_v, sem):
        wid = lax.axis_index("s") * _NC + lax.axis_index("c")
        base = wid * b_per_w
        cp_d = pltpu.async_copy(data_hbm.at[pl.ds(base, b_per_w)], d_v, sem)
        cp_d.wait()

        def chunk(k, carry):
            row0 = k * _RCHUNK
            pltpu.sync_copy(cm_hbm.at[pl.ds(base + row0, _RCHUNK)], cm_v)

            def step(i, carry2):
                off = i * _L
                d = d_v[pl.ds(row0 + off, _L)]
                rows = off + lax.iota(jnp.int32, _L)
                out_v[pl.ds(row0 + off, _L)] = plsc.load_gather(
                    cm_v, [rows, d - 1]
                )
                return carry2

            lax.fori_loop(0, _RCHUNK // _L, step, 0)
            return carry

        lax.fori_loop(0, b_per_w // _RCHUNK, chunk, 0)
        pltpu.sync_copy(out_v, out_hbm.at[pl.ds(base, b_per_w)])

    return run(data_i32, color_mask)


def kernel(data, color_mask):
    b, c = color_mask.shape
    if data.dtype != jnp.int32:
        data = data.astype(jnp.int32)
    return _gather_colors(data, color_mask, b // _NW, c)

# --- scband reference (transcript-rebuilt; emitter-appended) ---
"""Pipeline reference for scband-fcnncolor-valuation-function-29953101922474 (READ-ONLY COPY).

The authoritative reference and input builder live on the scoring server;
editing this copy changes nothing except your own understanding.
"""

import jax, jax.numpy as jnp
import numpy as np

B = 16384
C = 8

def setup_inputs(seed: int = 0) -> dict:
    key = jax.random.key(seed)
    k1, k2 = jax.random.split(key)
    # colors are 1-based ids in [1, C], matching data[d_i]['color'] semantics
    data = jax.random.randint(k1, (B,), 0, C) + 1
    color_mask = jax.random.uniform(k2, (B, C), dtype=jnp.float32)
    return {"data": data, "color_mask": color_mask}

def reference(data, color_mask):
    # Faithful translation of:
    #   data_colors = zeros_like(color_mask)
    #   for d_i in range(len(data)): data_colors[d_i, data[d_i]['color'] - 1] = 1
    #   is_color = (color_mask * data_colors).sum(dim=1)
    # The per-row scatter-of-ones is exactly a one-hot over (color - 1).
    data_colors = jax.nn.one_hot(data - 1, color_mask.shape[1], dtype=color_mask.dtype)
    is_color = (color_mask * data_colors).sum(axis=1)
    return is_color

if __name__ == "__main__":
    import jax
    _d = setup_inputs()
    print(jax.jit(kernel)(*tuple(_d.values())))

</pallas_src>

<mosaic_0001>
#map = affine_map<(d0, d1) -> (0)>
#map1 = affine_map<(d0, d1) -> (0, 0)>
module attributes {stable_mosaic.version = 14 : i64} {
  func.func @run(%arg0: i32, %arg1: i32, %arg2: memref<16384xi32, #tpu.memory_space<hbm>>, %arg3: memref<16384x8xf32, #tpu.memory_space<hbm>>, %arg4: memref<16384xf32, #tpu.memory_space<hbm>>, %arg5: memref<1024xi32, #tpu.memory_space<vmem>>, %arg6: memref<64x8xf32, #tpu.memory_space<vmem>>, %arg7: memref<1024xf32, #tpu.memory_space<vmem>>, %arg8: memref<!tpu.dma_semaphore, #tpu.memory_space<semaphore_mem>>) attributes {dimension_semantics = [#tpu.dimension_semantics<core_parallel>, #tpu.dimension_semantics<subcore_parallel>], iteration_bounds = array<i64: 1, 16>, scalar_prefetch = 0 : i64, scratch_operands = 4 : i64, tpu.core_type = #tpu.core_type<sc_vector_subcore>, window_params = [{transform_indices = #map}, {transform_indices = #map1}, {transform_indices = #map}]} {
    %mul3A = arith.constant 1 : i32
    %mul3A_0 = arith.muli %arg1, %mul3A : i32
    %add3A = arith.addi %mul3A_0, %arg0 : i32
    %mul3A_1 = arith.constant 1024 : i32
    %mul3A_2 = arith.muli %add3A, %mul3A_1 : i32
    %dma_start3A = tpu.memref_slice %arg2[%mul3A_2] : memref<16384xi32, #tpu.memory_space<hbm>> -> memref<1024xi32, #tpu.memory_space<hbm>>
    %dma_start3A_3 = tpu.memref_slice %arg2[%mul3A_2] : memref<16384xi32, #tpu.memory_space<hbm>> -> memref<1024xi32, #tpu.memory_space<hbm>>
    tpu.enqueue_dma source(%dma_start3A_3 : memref<1024xi32, #tpu.memory_space<hbm>>) target(%arg5 : memref<1024xi32, #tpu.memory_space<vmem>>) target_semaphore(%arg8 : memref<!tpu.dma_semaphore, #tpu.memory_space<semaphore_mem>>)
    %dma_wait3A = tpu.memref_slice %arg2[%mul3A_2] : memref<16384xi32, #tpu.memory_space<hbm>> -> memref<1024xi32, #tpu.memory_space<hbm>>
    %dma_wait3A_4 = tpu.memref_slice %arg2[%mul3A_2] : memref<16384xi32, #tpu.memory_space<hbm>> -> memref<1024xi32, #tpu.memory_space<hbm>>
    tpu.wait_dma2 semaphore(%arg8 : memref<!tpu.dma_semaphore, #tpu.memory_space<semaphore_mem>>) src(%dma_wait3A_4 : memref<1024xi32, #tpu.memory_space<hbm>>) dst(%arg5 : memref<1024xi32, #tpu.memory_space<vmem>>)
    %scan3A = arith.constant 0 : i32
    %scan3A_5 = arith.constant 0 : i32
    %scan3A_6 = arith.constant 16 : i32
    %scan3A_7 = arith.addi %scan3A_5, %scan3A_6 : i32
    %scan3A_8 = arith.constant 1 : i32
    scf.for %scan3A_10 = %scan3A_5 to %scan3A_7 step %scan3A_8  : i32 {
      %mul3A_11 = arith.constant 64 : i32
      %mul3A_12 = arith.muli %scan3A_10, %mul3A_11 : i32
      %add3A_13 = arith.addi %mul3A_2, %mul3A_12 : i32
      "tpu.region"() ({
        %run_scoped3A = tpu.sem_alloc : memref<!tpu.dma_semaphore, #tpu.memory_space<semaphore_mem>>
        %dma_start3A_20 = arith.constant 0 : i32
        %dma_start3A_21 = tpu.memref_slice %arg3[%add3A_13, %dma_start3A_20] : memref<16384x8xf32, #tpu.memory_space<hbm>> -> memref<64x8xf32, #tpu.memory_space<hbm>>
        %dma_start3A_22 = arith.constant 0 : i32
        %dma_start3A_23 = tpu.memref_slice %arg3[%add3A_13, %dma_start3A_22] : memref<16384x8xf32, #tpu.memory_space<hbm>> -> memref<64x8xf32, #tpu.memory_space<hbm>>
        tpu.enqueue_dma source(%dma_start3A_23 : memref<64x8xf32, #tpu.memory_space<hbm>>) target(%arg6 : memref<64x8xf32, #tpu.memory_space<vmem>>) target_semaphore(%run_scoped3A : memref<!tpu.dma_semaphore, #tpu.memory_space<semaphore_mem>>)
        %dma_wait3A_24 = arith.constant 0 : i32
        %dma_wait3A_25 = tpu.memref_slice %arg3[%add3A_13, %dma_wait3A_24] : memref<16384x8xf32, #tpu.memory_space<hbm>> -> memref<64x8xf32, #tpu.memory_space<hbm>>
        %dma_wait3A_26 = arith.constant 0 : i32
        %dma_wait3A_27 = tpu.memref_slice %arg3[%add3A_13, %dma_wait3A_26] : memref<16384x8xf32, #tpu.memory_space<hbm>> -> memref<64x8xf32, #tpu.memory_space<hbm>>
        tpu.wait_dma2 semaphore(%run_scoped3A : memref<!tpu.dma_semaphore, #tpu.memory_space<semaphore_mem>>) src(%dma_wait3A_27 : memref<64x8xf32, #tpu.memory_space<hbm>>) dst(%arg6 : memref<64x8xf32, #tpu.memory_space<vmem>>)
        tpu.yield
      }) : () -> ()
      %scan3A_14 = arith.constant 0 : i32
      %scan3A_15 = arith.constant 0 : i32
      %scan3A_16 = arith.constant 4 : i32
      %scan3A_17 = arith.addi %scan3A_15, %scan3A_16 : i32
      %scan3A_18 = arith.constant 1 : i32
      scf.for %scan3A_20 = %scan3A_15 to %scan3A_17 step %scan3A_18  : i32 {
        %mul3A_21 = arith.constant 16 : i32
        %mul3A_22 = arith.muli %scan3A_20, %mul3A_21 : i32
        %add3A_23 = arith.addi %mul3A_12, %mul3A_22 : i32
        %get3A = arith.index_cast %add3A_23 : i32 to index
        %get3A_24 = tpu.vector_load %arg5[%get3A] {strides = array<i32>} : memref<1024xi32, #tpu.memory_space<vmem>>, vector<16xi32>,
        %iota3A = tpu.iota {dimensions = array<i32: 0>} : vector<16xi32>
        %add3A_25 = vector.broadcast %mul3A_22 : i32 to vector<16xi32>
        %add3A_26 = arith.addi %add3A_25, %iota3A : vector<16xi32>
        %sub3A = arith.constant 1 : i32
        %sub3A_27 = vector.broadcast %sub3A : i32 to vector<16xi32>
        %sub3A_28 = arith.subi %get3A_24, %sub3A_27 : vector<16xi32>
        %gather3A = tpu.vector_load_idx %arg6[%add3A_26, %sub3A_28] : memref<64x8xf32, #tpu.memory_space<vmem>>[vector<16xi32>, vector<16xi32>], vector<16xf32>,
        %add3A_29 = arith.addi %mul3A_12, %mul3A_22 : i32
        %swap3A = arith.index_cast %add3A_29 : i32 to index
        %swap3A_30 = tpu.vector_load %arg7[%swap3A] {strides = array<i32>} : memref<1024xf32, #tpu.memory_space<vmem>>, vector<16xf32>,
        tpu.vector_store %arg7[%swap3A], %gather3A {strides = array<i32>} : memref<1024xf32, #tpu.memory_space<vmem>>, vector<16xf32>,
      }
      %scan3A_19 = arith.constant 4 : i32
    }
    %scan3A_9 = arith.constant 16 : i32
    "tpu.region"() ({
      %run_scoped3A = tpu.sem_alloc : memref<!tpu.dma_semaphore, #tpu.memory_space<semaphore_mem>>
      %dma_start3A_10 = tpu.memref_slice %arg4[%mul3A_2] : memref<16384xf32, #tpu.memory_space<hbm>> -> memref<1024xf32, #tpu.memory_space<hbm>>
      %dma_start3A_11 = tpu.memref_slice %arg4[%mul3A_2] : memref<16384xf32, #tpu.memory_space<hbm>> -> memref<1024xf32, #tpu.memory_space<hbm>>
      tpu.enqueue_dma source(%arg7 : memref<1024xf32, #tpu.memory_space<vmem>>) target(%dma_start3A_11 : memref<1024xf32, #tpu.memory_space<hbm>>) target_semaphore(%run_scoped3A : memref<!tpu.dma_semaphore, #tpu.memory_space<semaphore_mem>>)
      %dma_wait3A_12 = tpu.memref_slice %arg4[%mul3A_2] : memref<16384xf32, #tpu.memory_space<hbm>> -> memref<1024xf32, #tpu.memory_space<hbm>>
      %dma_wait3A_13 = tpu.memref_slice %arg4[%mul3A_2] : memref<16384xf32, #tpu.memory_space<hbm>> -> memref<1024xf32, #tpu.memory_space<hbm>>
      tpu.wait_dma2 semaphore(%run_scoped3A : memref<!tpu.dma_semaphore, #tpu.memory_space<semaphore_mem>>) src(%arg7 : memref<1024xf32, #tpu.memory_space<vmem>>) dst(%dma_wait3A_13 : memref<1024xf32, #tpu.memory_space<hbm>>)
      tpu.yield
    }) : () -> ()
    return
  }
}

</mosaic_0001>

<sc_bundles>
// kernel: _gather_colors.3.cloned.1.call-start
scs
__scs_entry_jumppad:
0x0: {  	(pc) =	sbr.rel $0x88, $3  }
0x1: {  	(tag) =	ssettag $0x0;
	lr =	simm.s32 $0x1  }
0x2: {  	[smem:$0x3F9F] =	sst lr;
	_ =	strace $0xD0000000  }
0x3: {  	_ = 	snop  }
0x4: {  	_ = 	snop  }
0x5: {  	_ = 	snop  }
0x6: {  	_ = 	snop  }
0x7: {  	_ = 	snop  }
__scs_overlays_trampoline_lowered:
0x8: {  	[smem:$0x3FAE] =	sst s0  }
0x9: {  	[smem:$0x3FAF] =	sst s1  }
0xa: {  	[smem:$0x3FB0] =	sst s2  }
0xb: {  	[smem:$0x3FB1] =	sst s3  }
0xc: {  	[smem:$0x3FB2] =	sst s4  }
0xd: {  	[smem:$0x3FB3] =	sst s5  }
0xe: {  	[smem:$0x3FB4] =	sst s6  }
0xf: {  	[smem:$0x3FB5] =	sst s7  }
0x10: {  	[smem:$0x3FB6] =	sst s8  }
0x11: {  	[smem:$0x3FB7] =	sst s9;
	s0 =	simm.s32 @!p0 $0x0  }
0x12: {  	s1 =	sld [smem:$0x3F9D];
	s0 =	simm.s32 @p0 $0x1  }
0x13: {  	[smem:$0x3FB8] =	sst s0;
	s0 =	simm.s32 @!p1 $0x0  }
0x14: {  	s2 =	sld [smem:$0x3F9C];
	s0 =	simm.s32 @p1 $0x1  }
0x15: {  	[smem:$0x3FB9] =	sst s0;
	s0 =	simm.s32 @!p2 $0x0  }
0x16: {  	s3 =	sld [smem:$0x3FDB];
	s0 =	simm.s32 @p2 $0x1  }
0x17: {  	s4 =	simm.s32 $0x1BF5;
	[smem:$0x3FBB] =	sst s0  }
0x18: {  	s0 =	sld [smem:$0x3F9E];
	_ =	swait.ge [sflag:s4], $0x0  }
0x19: {  	s7 =	sld [smem:$0x3F9F]  }
0x1a: {  	s8 =	sadd.s32 $0xFFFFE003, lr  }
0x1b: {  	s9 =	sadd.s32 $0xFFFFFEF7, lr;
	s5 =	simm.s32 $0xFFFFFFFF;
	p2 =	slt.u32 s8, $0xFFFFF086  }
0x1c: {  	p1 =	slt.u32 s9, $0xF7A;
	s5 =	simm.s32 @!p2 $0x0  }
0x1d: {  	s5 =	simm.s32 @p1 $0x1;
	p0 =	seq.s32 s7, s2  }
0x1e: {  	s7 =	smul.u32 @!p0 $0xF7A, s2;
	p2 =	seq.s32 @!p0 s5, $0x0  }
0x1f: {  	s9 =	smul.u32 $0xF7A, s1;
	s8 =	simm.s32 @!p0 $0x1BF5;
	p2 =	por !p2, p0  }
0x20: {  	[sflag:s8] =	ssyncset.s32 @!p0 $0xFFFFF086;
	s6 =	sadd.s32 @!p0 s3, s7;
	s7 =	simm.s32 @!p0 $0x108  }
0x21: {  	s3 =	sadd.s32 s3, s9;
	s6 =	sadd.s32 @!p0 $0x88, s6;
	s7 =	simm.s32 @p2 $0x1082  }
0x22: {  	[simem:s7], [sflag:s8] =	dma.local @!p0 [hbm:s6], $0xF7A  }
0x23: {  	s9 =	sor.u32 $0xD0000000, s2;
	s6 =	simm.s32 $0x108;
	_ =	swait.ge @!p0 [sflag:s8], $0x0  }
0x24: {  	s3 =	sadd.s32 $0x88, s3;
	s6 =	simm.s32 @!p1 $0x1082;
	[sflag:s4] =	ssyncset.s32 $0xFFFFF086  }
0x25: {  	[simem:s6], [sflag:s4] =	dma.local [hbm:s3], $0xF7A  }
0x26: {  	[smem:$0x3F9F] =	sst s1;
	(tag) =	ssettag s2;
	_ =	strace s9  }
0x27: {  	s1 =	sld [smem:$0x3FAF]  }
0x28: {  	s2 =	sld [smem:$0x3FB0]  }
0x29: {  	s4 =	sld [smem:$0x3FB2]  }
0x2a: {  	p0 =	seq.s32 s5, $0x0;
	s5 =	sld [smem:$0x3FB3]  }
0x2b: {  	s6 =	sld [smem:$0x3FB4]  }
0x2c: {  	s7 =	sld [smem:$0x3FB5]  }
0x2d: {  	s3 =	simm.s32 $0x108;
	s8 =	sld [smem:$0x3FB6]  }
0x2e: {  	s3 =	simm.s32 @!p0 $0x1082;
	s9 =	sld [smem:$0x3FB7]  }
0x2f: {  	lr =	sadd.s32 s0, s3;
	s0 =	sld [smem:$0x3FAE]  }
0x30: {  	s3 =	sld [smem:$0x3FB1]  }
0x31: {  	[smem:$0x3FBA] =	sst s10  }
0x32: {  	s10 =	sld [smem:$0x3FB8];
	_ =	sdelay $0x3  }
0x33: {  	p0 =	seq.s32 s10, $0x1;
	s10 =	sld [smem:$0x3FBA];
	_ =	sdelay $0x3  }
0x34: {  	[smem:$0x3FBA] =	sst s10  }
0x35: {  	s10 =	sld [smem:$0x3FB9];
	_ =	sdelay $0x3  }
0x36: {  	p1 =	seq.s32 s10, $0x1;
	s10 =	sld [smem:$0x3FBA];
	_ =	sdelay $0x3  }
0x37: {  	[smem:$0x3FBA] =	sst s10  }
0x38: {  	s10 =	sld [smem:$0x3FBB]  }
0x39: {  	_ = 	snop;
	(pc) =	sbr.ind lr, $3  }
0x3a: {  	_ = 	snop  }
0x3b: {  	_ = 	snop  }
0x3c: {  	p2 =	seq.s32 s10, $0x1;
	s10 =	sld [smem:$0x3FBA]  }
0x3d: {  	_ =	shalt  }
0x3e: {  	_ =	shalt  }
0x3f: {  	_ =	shalt  }
0x40: {  	_ =	shalt  }
0x41: {  	_ =	shalt  }
0x42: {  	_ =	shalt  }
0x43: {  	_ =	shalt  }
0x44: {  	_ =	shalt  }
0x45: {  	_ =	shalt  }
0x46: {  	_ =	shalt  }
0x47: {  	_ =	shalt  }
0x48: {  	_ =	shalt  }
0x49: {  	_ =	shalt  }
0x4a: {  	_ =	shalt  }
0x4b: {  	_ =	shalt  }
0x4c: {  	_ =	shalt  }
0x4d: {  	_ =	shalt  }
0x4e: {  	_ =	shalt  }
0x4f: {  	_ =	shalt  }
0x50: {  	_ =	shalt  }
0x51: {  	_ =	shalt  }
0x52: {  	_ =	shalt  }
0x53: {  	_ =	shalt  }
0x54: {  	_ =	shalt  }
0x55: {  	_ =	shalt  }
0x56: {  	_ =	shalt  }
0x57: {  	_ =	shalt  }
0x58: {  	_ =	shalt  }
0x59: {  	_ =	shalt  }
0x5a: {  	_ =	shalt  }
0x5b: {  	_ =	shalt  }
0x5c: {  	_ =	shalt  }
0x5d: {  	_ =	shalt  }
0x5e: {  	_ =	shalt  }
0x5f: {  	_ =	shalt  }
0x60: {  	_ =	shalt  }
0x61: {  	_ =	shalt  }
0x62: {  	_ =	shalt  }
0x63: {  	_ =	shalt  }
0x64: {  	_ =	shalt  }
0x65: {  	_ =	shalt  }
0x66: {  	_ =	shalt  }
0x67: {  	_ =	shalt  }
0x68: {  	_ =	shalt  }
0x69: {  	_ =	shalt  }
0x6a: {  	_ =	shalt  }
0x6b: {  	_ =	shalt  }
0x6c: {  	_ =	shalt  }
0x6d: {  	_ =	shalt  }
0x6e: {  	_ =	shalt  }
0x6f: {  	_ =	shalt  }
0x70: {  	_ =	shalt  }
0x71: {  	_ =	shalt  }
0x72: {  	_ =	shalt  }
0x73: {  	_ =	shalt  }
0x74: {  	_ =	shalt  }
0x75: {  	_ =	shalt  }
0x76: {  	_ =	shalt  }
0x77: {  	_ =	shalt  }
0x78: {  	_ =	shalt  }
0x79: {  	_ =	shalt  }
0x7a: {  	_ =	shalt  }
0x7b: {  	_ =	shalt  }
0x7c: {  	_ =	shalt  }
0x7d: {  	_ =	shalt  }
0x7e: {  	_ =	shalt  }
0x7f: {  	_ =	shalt  }
0x80: {  	_ =	shalt  }
0x81: {  	_ =	shalt  }
0x82: {  	_ =	shalt  }
0x83: {  	_ =	shalt  }
0x84: {  	_ =	shalt  }
0x85: {  	_ =	shalt  }
0x86: {  	_ =	shalt  }
0x87: {  	_ =	shalt  }
.Lfunc_end0:
.L_simem_size_0:
called_computation_lowered:
.L_overlay_start_0:
0x88: {  	s0 =	sld [smem:$0x3FD9]  }
0x89: {  	s1 =	sld [smem:$0x3FFE];
	_ =	sdelay $0x3  }
0x8a: {  	s0 =	sadd.s32 s1, s0  }
0x8b: {  	[smem:$0x3FC6] =	sst s0  }
0x8c: {  	_ = 	snop  }
0x8d: {  	s0 =	sld [smem:$0x3FC9]  }
0x8e: {  	s16 =	sld [smem:$0x3FD0];
	(tm) =	ssettm $0x1  }
0x8f: {  	s2 =	sld [smem:$0x3FFB];
	_ =	sdelay $0x3  }
0x90: {  	_ =	strace s2  }
0x91: {  	s2 =	sld [smem:$0x3FFC];
	_ =	sdelay $0x3  }
0x92: {  	_ =	strace s2  }
0x93: {  	s2 =	sld [smem:$0x3FFD];
	_ =	sdelay $0x3  }
0x94: {  	_ =	strace s2  }
0x95: {  	_ =	strace $0x8FFFFFFF  }
0x96: {  	s17 =	sld [smem:$0x3FDB];
	_ =	sdelay $0x1  }
0x97: {  	s3 =	simm.s32 $_scs_section_size  }
0x98: {  	s4 =	simm.s32 $_size__tile_overlayer_lowered;
	s5 =	simm.s32 $_tile_overlayer_lowered  }
0x99: {  	s20 =	simm.s32 $0x1BFF;
	s19 =	sshll.u32 s5, $0x1;
	s2 =	sadd.s32 s3, s17  }
0x9a: {  	s6 =	simm.s32 $0x0;
	s18 =	sshll.u32 s4, $0x1;
	s4 =	sadd.s32 s19, s2  }
0x9b: {  	[timem:s6], [sflag:s20] =	dma.local [hbm:s4], s18  }
0x9c: {  	_ =	swait.ge [sflag:s20], s18  }
0x9d: {  	s3 =	ssub.s32 $0x0, s18;
	[sflag:s20] =	ssyncset.done $0x0  }
0x9e: {  	[sflag:s20] =	ssyncadd.s32 s3;
	_ =	sdelay $0x1  }
0x9f: {  	s21 =	simm.s32 $0x1B8B  }
0xa0: {  	_ =	swait.ge [sflag:s21], $0x1  }
0xa1: {  	[sflag:s21] =	ssyncset.done $0x0  }
0xa2: {  	s23 =	simm.s32 $0x1B8E;
	s22 =	sld [smem:$0x3FFE];
	[sflag:s21] =	ssyncadd.s32 $0xFFFFFFFF  }
0xa3: {  	s24 =	simm.s32 $execute0_lowered;
	[smem:$0x3FD2] =	sst s23  }
0xa4: {  	s4 =	sshll.u32 s24, $0x1;
	_ =	strace $0x80000046;
	[dreg:$0x1] =	wrdreg $0xFFFFFFFF  }
0xa5: {  	s25 =	simm.s32 $_size_execute0_lowered;
	s2 =	sadd.s32 s2, s4;
	[dreg:$0x0] =	wrdreg $0x0  }
0xa6: {  	s4 =	sshll.u32 s25, $0x1;
	[dreg:$0x2] =	wrdreg s2  }
0xa7: {  	[dreg:$0x3] =	wrdreg s4  }
0xa8: {  	[dreg:$0x4] =	wrdreg $0xC0  }
0xa9: {  	_ =	task [dreg:s6], $0x5FFFF  }
0xaa: {  	[dreg:$0x1] =	wrdreg $0xFFFFFFFF  }
0xab: {  	[dreg:$0x0] =	wrdreg $0x60  }
0xac: {  	[dreg:$0x2] =	wrdreg s0  }
0xad: {  	[dreg:$0x3] =	wrdreg s22  }
0xae: {  	[dreg:$0x4] =	wrdreg s16  }
0xaf: {  	[dreg:$0x5] =	wrdreg $0x9  }
0xb0: {  	_ =	task.clear_ibuf [dreg:s6], $0x6FFFF;
	_ =	strace $0x90000046  }
0xb1: {  	s26 =	simm.s32 $0x9;
	_ =	strace $0x80000048  }
0xb2: {  	_ =	swait.ge [sflag:s26], $0x1  }
0xb3: {  	[sflag:s26] =	ssyncadd.s32 $0xFFFFFFFF  }
0xb4: {  	_ =	strace $0x90000048  }
0xb5: {  	_ =	sfence  }
0xb6: {  	s28 =	sld [smem:$0x0];
	_ =	sdelay $0x1  }
0xb7: {  	s29 =	srdreg.scid  }
0xb8: {  	s30 =	sshll.u32 s29, $0xD;
	s31 =	sshrl.u32 s29, $0x2  }
0xb9: {  	s1 =	sand.u32 $0x1, s29;
	s2 =	sand.u32 $0x4000, s30;
	s0 =	sadd.s32 s31, s28  }
0xba: {  	s1 =	sor.u32 s2, s1;
	s0 =	sshll.u32 s0, $0x11  }
0xbb: {  	s0 =	sor.u32 s0, s1  }
0xbc: {  	s0 =	sadd.s32 $0x8F2B, s0  }
0xbd: {  	[sflag:s0] =	ssyncadd.remote.s32 $0x1  }
0xbe: {  	_ =	sfence.sel $0xFFFF  }
0xbf: {  	[dreg:$0x0] =	wrdreg $0xFFFFFFFF;
	(pc) =	sbr.abs _section_cstart, $3  }
0xc0: {  	[dreg:$0x1] =	wrdreg $0xFFFFFFFF  }
0xc1: {  	_ =	task.clear_ibuf [dreg:s6], $0x2FFFF;
	_ =	strace $0x9FFFFFFF  }
0xc2: {  	(tm) =	ssettm $0x7FFFFFFF  }
0xc3: {  	_ =	shalt  }
tec
execute0_lowered:
.L_overlay_start_1:
0x0: {  	(tag) =	ssettag $0x1  }
0x1: {  	s5 =	rddreg [dreg:$0x0]  }
0x2: {  	s6 =	rddreg [dreg:$0x1]  }
0x3: {  	s2 =	rddreg [dreg:$0x2]  }
0x4: {  	s0 =	rddreg [dreg:$0x3];
	s3 =	simm.s32 $0x0;
	s1 =	stileid.u32  }
0x5: {  	[smem:$0x7FF] =	sst s3;
	s4 =	sshll.u32 s1, $0x7  }
0x6: {  	s31 =	simm.s32 $0x1;
	_ =	strace $0x80000047;
	s5 =	sadd.s32 s5, s4  }
0x7: {  	[tilespmem:s3], [sflag:$0x1] =	stream.linear.gather [hbm4b:s5+s3], $0x400, $0x38;
	[tilespmem:$0x2800] =	vst v63  }
0x8: {  	s7 =	sshll.u32 s1, $0xE;
	_ =	swait.ge [sflag:s31], $0x400  }
0x9: {  	s6 =	sadd.s32 s7, s6;
	s7 =	simm.s32 $0x2;
	[sflag:s31] =	ssyncset.done $0x0  }
0xa: {  	s5 =	sadd.s32 $0x400, s6;
	s6 =	simm.s32 $0x400;
	[sflag:s31] =	ssyncadd.s32 $0xFFFFFC00  }
0xb: {  	[tilespmem:s6], [sflag:$0x2] =	stream.linear.gather [hbm4b:s5+s3], $0x2000, $0x38;
	[tilespmem:$0x2800] =	vst v63  }
0xc: {  	_ =	swait.ge [sflag:s7], $0x2000  }
0xd: {  	[sflag:s7] =	ssyncset.done $0x0  }
0xe: {  	s8 =	simm.s32 $0x0;
	[sflag:s7] =	ssyncadd.s32 $0xFFFFE000  }
0xf: {  	v1 =	vld [tilespmem:s8+$0x0]  }
0x10: {  	v0 =	vlaneseq.u32  }
0x11: {  	v3 =	vmul.u32 $0x80, v0;
	_ =	sdelay $0x1  }
0x12: {  	v0 =	vadd.s32 $0xFFFFFFFF, v3  }
0x13: {  	v2 =	vadd.s32 v0, v1  }
0x14: {  	v4 =	vld [tilespmem:s8+$0x10];
	_ =	sdelay $0x3  }
0x15: {  	v1 =	vadd.s32 $0x7FF, v3;
	v2 =	vld.idx.msk [tilespmem:v2+s6+$0x0], $0xffff  }
0x16: {  	v4 =	vadd.s32 v1, v4  }
0x17: {  	v5 =	vld [tilespmem:s8+$0x20];
	_ =	sdelay $0x2  }
0x18: {  	[tilespmem:s8+$0x2400] =	vst v2  }
0x19: {  	v2 =	vadd.s32 $0xFFF, v3;
	v4 =	vld.idx.msk [tilespmem:v4+s6+$0x0], $0xffff  }
0x1a: {  	v5 =	vadd.s32 v2, v5  }
0x1b: {  	v6 =	vld [tilespmem:s8+$0x30];
	_ =	sdelay $0x2  }
0x1c: {  	[tilespmem:s8+$0x2410] =	vst v4  }
0x1d: {  	v3 =	vadd.s32 $0x17FF, v3;
	v4 =	vld.idx.msk [tilespmem:v5+s6+$0x0], $0xffff  }
0x1e: {  	v5 =	vadd.s32 v3, v6;
	_ =	sdelay $0x3  }
0x1f: {  	[tilespmem:s8+$0x2420] =	vst v4  }
0x20: {  	s9 =	simm.s32 $0x100;
	v4 =	vld.idx.msk [tilespmem:v5+s6+$0x0], $0xffff  }
.LBB2_1:
0x21: {  	_ =	sdelay $0x2  }
0x22: {  	p0 =	sne.s32 s9, $0xF00  }
0x23: {  	s5 =	sadd.s32 $0x400, s5;
	[tilespmem:s8+$0x2430] =	vst v4;
	s8 =	smov.u32 s9;
	s9 =	sadd.s32 $0x100, s9  }
0x24: {  	[tilespmem:s6], [sflag:$0x2] =	stream.linear.gather [hbm4b:s5+s3], $0x2000, $0x38;
	[tilespmem:$0x2800] =	vst v63  }
0x25: {  	_ =	swait.ge [sflag:s7], $0x2000  }
0x26: {  	[sflag:s7] =	ssyncset.done $0x0  }
0x27: {  	s8 =	sshra.s32 s8, $0x2;
	[sflag:s7] =	ssyncadd.s32 $0xFFFFE000  }
0x28: {  	v4 =	vld [tilespmem:s8+$0x0]  }
0x29: {  	v5 =	vld [tilespmem:s8+$0x10]  }
0x2a: {  	v6 =	vld [tilespmem:s8+$0x20]  }
0x2b: {  	v7 =	vld [tilespmem:s8+$0x30];
	_ =	sdelay $0x1  }
0x2c: {  	v4 =	vadd.s32 v0, v4;
	_ =	sdelay $0x4  }
0x2d: {  	v4 =	vld.idx.msk [tilespmem:v4+s6+$0x0], $0xffff;
	_ =	sdelay $0x1  }
0x2e: {  	v5 =	vadd.s32 v1, v5;
	_ =	sdelay $0x3  }
0x2f: {  	[tilespmem:s8+$0x2400] =	vst v4  }
0x30: {  	v4 =	vld.idx.msk [tilespmem:v5+s6+$0x0], $0xffff;
	_ =	sdelay $0x1  }
0x31: {  	v5 =	vadd.s32 v2, v6;
	_ =	sdelay $0x3  }
0x32: {  	[tilespmem:s8+$0x2410] =	vst v4  }
0x33: {  	v4 =	vld.idx.msk [tilespmem:v5+s6+$0x0], $0xffff;
	_ =	sdelay $0x1  }
0x34: {  	v5 =	vadd.s32 v3, v7  }
.Ltmp0:
0x35: {  	(pc) =	sbr.rel @p0 .LBB2_1-.Ltmp0, $3  }
0x36: {  	_ =	sdelay $0x1  }
0x37: {  	[tilespmem:s8+$0x2420] =	vst v4  }
0x38: {  	v4 =	vld.idx.msk [tilespmem:v5+s6+$0x0], $0xffff  }
0x39: {  	_ =	sdelay $0x2  }
0x3a: {  	s2 =	sadd.s32 s2, s4  }
0x3b: {  	s3 =	simm.s32 $0x0;
	s30 =	simm.s32 $0x2400;
	s31 =	simm.s32 $0x2;
	[tilespmem:s8+$0x2430] =	vst v4  }
0x3c: {  	[hbm4b:s2+s3] =	stream.linear.scatter [tilespmem:s30], [sflag:$0x2], $0x400, $0x38;
	[tilespmem:$0x2800] =	vst v63  }
0x3d: {  	_ =	swait.ge [sflag:s31], $0x400  }
0x3e: {  	[sflag:s31] =	ssyncset.done $0x0  }
0x3f: {  	[sflag:s31] =	ssyncadd.s32 $0xFFFFFC00  }
0x40: {  	_ =	sfence.sel $0x180000  }
0x41: {  	[bflag:$0x0] =	sbarrier.arrive $0xFFFF  }
0x42: {  	p0 =	sne.s32 s1, $0x0;
	_ =	strace $0x90000047  }
0x43: {  	s0 =	sadd.s32 @!p0 $0x100000, s0;
	[bflag:$0x2] =	sbarrier.arrive $0xFFFF  }
0x44: {  	[sflag:s0] =	ssyncadd.tile.s32 @!p0 $0x1;
	_ =	shalt  }
.Lfunc_end2:
_tile_overlayer_lowered:
.L_overlay_start_2:
0x45: {  	(tag) =	ssettag $0x2  }
0x46: {  	s0 =	rddreg [dreg:$0x0];
	s2 =	stileid.u32  }
0x47: {  	s1 =	rddreg [dreg:$0x1];
	p0 =	sne.s32 s2, $0x0  }
0x48: {  	s3 =	rddreg [dreg:$0x2];
	[bflag:$0x3] =	sbarrier.arrive $0xFFFF;
	s2 =	simm.s32 @!p0 $0x1C02  }
0x49: {  	[timem:s3], [sflag:s2] =	dma.local @!p0 [hbm:s0], s1  }
0x4a: {  	s0 =	simm.s32 @!p0 $0x2  }
0x4b: {  	_ =	swait.ge @!p0 [sflag:s0], s1  }
0x4c: {  	s1 =	ssub.s32 @!p0 $0x0, s1;
	[sflag:s0] =	ssyncset.done @!p0 $0x0  }
0x4d: {  	[sflag:s0] =	ssyncadd.s32 @!p0 s1  }
0x4e: {  	[bflag:$0x3] =	sbarrier.arrive $0xFFFF  }
0x4f: {  	_ =	shalt  }

</sc_bundles>
